<compile_context>
chip_gen: v7x
topology: tpu7x:2x2x1
jax: 0.10.2.dev20260603
libtpu: 0.0.44.dev20260713+nightly
codegen_flags: <defaults>
</compile_context>

<pallas_src>
import functools

import jax
import jax.numpy as jnp
from jax import lax
from jax.experimental import pallas as pl
from jax.experimental.pallas import tpu as pltpu
from jax.experimental.pallas import tpu_sc as plsc

_K = 8192
_D = 256
_N = 4096
_ROW_TILE = 512
_CHUNK = 1024

_SC_CORES = 2
_SC_SUBCORES = 16


def _codebook_norms_body(cb_ref, se_ref):
    e = cb_ref[...]
    se_ref[...] = jnp.sum(e * e, axis=1)


def _codebook_norms(codebook):
    return pl.pallas_call(
        _codebook_norms_body,
        out_shape=jax.ShapeDtypeStruct((_K,), jnp.float32),
    )(codebook)


def _distance_argmin_body(x_ref, cb_ref, se_ref, idx_ref, dmin_ref):
    x2 = 2.0 * x_ref[...]
    sx = jnp.sum(x_ref[...] * x_ref[...], axis=1, keepdims=True)
    best_val = jnp.full((_ROW_TILE,), jnp.inf, jnp.float32)
    best_idx = jnp.zeros((_ROW_TILE,), jnp.int32)
    for c in range(_K // _CHUNK):
        e = cb_ref[c * _CHUNK:(c + 1) * _CHUNK, :]
        se = se_ref[c * _CHUNK:(c + 1) * _CHUNK]
        m2 = lax.dot_general(x2, e, (((1,), (1,)), ((), ())),
                             preferred_element_type=jnp.float32)
        d = (sx + se[None, :]) - m2
        cmin = jnp.min(d, axis=1)
        cols = lax.broadcasted_iota(jnp.int32, (_ROW_TILE, _CHUNK), 1)
        cidx = jnp.min(jnp.where(d == cmin[:, None], cols, jnp.int32(2**30)),
                       axis=1) + c * _CHUNK
        upd = cmin < best_val
        best_idx = jnp.where(upd, cidx, best_idx)
        best_val = jnp.where(upd, cmin, best_val)
    idx_ref[0, 0, :] = best_idx
    dmin_ref[0, 0, :] = best_val


def _tc_distance_argmin(x_flat, codebook, se):
    nt = _N // _ROW_TILE
    idx3, dmin3 = pl.pallas_call(
        _distance_argmin_body,
        grid=(nt,),
        in_specs=[
            pl.BlockSpec((_ROW_TILE, _D), lambda t: (t, 0)),
            pl.BlockSpec((_K, _D), lambda t: (0, 0)),
            pl.BlockSpec((_K,), lambda t: (0,)),
        ],
        out_specs=(
            pl.BlockSpec((1, 1, _ROW_TILE), lambda t: (t, 0, 0)),
            pl.BlockSpec((1, 1, _ROW_TILE), lambda t: (t, 0, 0)),
        ),
        out_shape=(
            jax.ShapeDtypeStruct((nt, 1, _ROW_TILE), jnp.int32),
            jax.ShapeDtypeStruct((nt, 1, _ROW_TILE), jnp.float32),
        ),
        compiler_params=pltpu.CompilerParams(
            dimension_semantics=("parallel",)),
    )(x_flat, codebook, se)
    return idx3.reshape(_N), dmin3.reshape(_N)


def _sc_gather(codebook, indices):
    nw = _SC_CORES * _SC_SUBCORES
    bpw = _N // nw
    mesh = plsc.VectorSubcoreMesh(core_axis_name="c", subcore_axis_name="s")

    @functools.partial(
        pl.kernel, mesh=mesh,
        out_type=jax.ShapeDtypeStruct((_N, _D), jnp.float32),
        scratch_types=[
            pltpu.VMEM((bpw,), jnp.int32),
            pltpu.VMEM((bpw, _D), jnp.float32),
            pltpu.SemaphoreType.DMA,
        ],
    )
    def gather_kernel(table_hbm, idx_hbm, out_hbm, idx_v, rows_v, sem):
        wid = lax.axis_index("s") * _SC_CORES + lax.axis_index("c")
        base = wid * bpw
        pltpu.sync_copy(idx_hbm.at[pl.ds(base, bpw)], idx_v)
        pltpu.async_copy(table_hbm.at[idx_v], rows_v, sem).wait()
        pltpu.sync_copy(rows_v, out_hbm.at[pl.ds(base, bpw)])

    return gather_kernel(codebook, indices)


def kernel(inputs, codebook):
    x_flat = jnp.transpose(inputs, (0, 2, 3, 1)).reshape(_N, _D)
    se = _codebook_norms(codebook)
    indices, dmin = _tc_distance_argmin(x_flat, codebook, se)
    q_flat = _sc_gather(codebook, indices)
    quantized = jnp.transpose(q_flat.reshape(4, 32, 32, _D), (0, 3, 1, 2))
    vq_loss = 1.25 * (jnp.sum(dmin) / jnp.float32(_N * _D))
    return quantized, vq_loss, indices

# --- scband reference (transcript-rebuilt; emitter-appended) ---
"""Pipeline reference for scband-vector-quantizer-11802570130396 (READ-ONLY COPY).

The authoritative reference and input builder live on the scoring server;
editing this copy changes nothing except your own understanding.
"""

import jax, jax.numpy as jnp
import numpy as np

NUM_EMBEDDINGS = 8192
EMBEDDING_DIM = 256
COMMITMENT_COST = 0.25

def setup_inputs(seed: int = 0) -> dict:
    key = jax.random.key(seed)
    k1, k2 = jax.random.split(key)
    inputs = jax.random.normal(k1, (4, 256, 32, 32), dtype=jnp.float32)
    # codebook initialized uniform(-1/K, 1/K) like nn.Embedding init in the module
    codebook = jax.random.uniform(k2, (NUM_EMBEDDINGS, EMBEDDING_DIM), dtype=jnp.float32,
                                  minval=-1.0 / NUM_EMBEDDINGS, maxval=1.0 / NUM_EMBEDDINGS)
    return {"inputs": inputs, "codebook": codebook}

def reference(inputs, codebook):
    # inputs: [B, C, H, W] -> [B, H, W, C]
    x = jnp.transpose(inputs, (0, 2, 3, 1))
    input_shape = x.shape
    flat_input = x.reshape(-1, EMBEDDING_DIM)
    # squared L2 distances to all codebook entries
    distances = (jnp.sum(flat_input ** 2, axis=1, keepdims=True)
                 + jnp.sum(codebook ** 2, axis=1)
                 - 2.0 * jnp.matmul(flat_input, codebook.T))
    encoding_indices = jnp.argmin(distances, axis=1)
    encodings = jax.nn.one_hot(encoding_indices, NUM_EMBEDDINGS, dtype=jnp.float32)
    quantized = jnp.matmul(encodings, codebook)
    quantized = quantized.reshape(input_shape)
    e_latent_loss = jnp.mean((jax.lax.stop_gradient(quantized) - x) ** 2)
    q_latent_loss = jnp.mean((quantized - jax.lax.stop_gradient(x)) ** 2)
    vq_loss = q_latent_loss + COMMITMENT_COST * e_latent_loss
    # straight-through estimator
    quantized = x + jax.lax.stop_gradient(quantized - x)
    quantized = jnp.transpose(quantized, (0, 3, 1, 2))
    return (quantized, vq_loss, encoding_indices)

if __name__ == "__main__":
    import jax
    _d = setup_inputs()
    print(jax.jit(kernel)(*tuple(_d.values())))

</pallas_src>

<mosaic_0001>
#map = affine_map<(d0, d1) -> (0, 0)>
#map1 = affine_map<(d0, d1) -> (0)>
module attributes {stable_mosaic.version = 14 : i64} {
  func.func @gather_kernel(%arg0: i32, %arg1: i32, %arg2: memref<8192x256xf32, #tpu.memory_space<hbm>>, %arg3: memref<4096xi32, #tpu.memory_space<hbm>>, %arg4: memref<4096x256xf32, #tpu.memory_space<hbm>>, %arg5: memref<128xi32, #tpu.memory_space<vmem>>, %arg6: memref<128x256xf32, #tpu.memory_space<vmem>>, %arg7: memref<!tpu.dma_semaphore, #tpu.memory_space<semaphore_mem>>) attributes {dimension_semantics = [#tpu.dimension_semantics<core_parallel>, #tpu.dimension_semantics<subcore_parallel>], iteration_bounds = array<i64: 2, 16>, scalar_prefetch = 0 : i64, scratch_operands = 3 : i64, tpu.core_type = #tpu.core_type<sc_vector_subcore>, window_params = [{transform_indices = #map}, {transform_indices = #map1}, {transform_indices = #map}]} {
    %mul3A = arith.constant 2 : i32
    %mul3A_0 = arith.muli %arg1, %mul3A : i32
    %add3A = arith.addi %mul3A_0, %arg0 : i32
    %mul3A_1 = arith.constant 128 : i32
    %mul3A_2 = arith.muli %add3A, %mul3A_1 : i32
    "tpu.region"() ({
      %run_scoped3A = tpu.sem_alloc : memref<!tpu.dma_semaphore, #tpu.memory_space<semaphore_mem>>
      %dma_start3A_7 = tpu.memref_slice %arg3[%mul3A_2] : memref<4096xi32, #tpu.memory_space<hbm>> -> memref<128xi32, #tpu.memory_space<hbm>>
      %dma_start3A_8 = tpu.memref_slice %arg3[%mul3A_2] : memref<4096xi32, #tpu.memory_space<hbm>> -> memref<128xi32, #tpu.memory_space<hbm>>
      tpu.enqueue_dma source(%dma_start3A_8 : memref<128xi32, #tpu.memory_space<hbm>>) target(%arg5 : memref<128xi32, #tpu.memory_space<vmem>>) target_semaphore(%run_scoped3A : memref<!tpu.dma_semaphore, #tpu.memory_space<semaphore_mem>>)
      %dma_wait3A_9 = tpu.memref_slice %arg3[%mul3A_2] : memref<4096xi32, #tpu.memory_space<hbm>> -> memref<128xi32, #tpu.memory_space<hbm>>
      %dma_wait3A_10 = tpu.memref_slice %arg3[%mul3A_2] : memref<4096xi32, #tpu.memory_space<hbm>> -> memref<128xi32, #tpu.memory_space<hbm>>
      tpu.wait_dma2 semaphore(%run_scoped3A : memref<!tpu.dma_semaphore, #tpu.memory_space<semaphore_mem>>) src(%dma_wait3A_10 : memref<128xi32, #tpu.memory_space<hbm>>) dst(%arg5 : memref<128xi32, #tpu.memory_space<vmem>>)
      tpu.yield
    }) : () -> ()
    %dma_start3A = arith.constant 0 : i32
    %dma_start3A_3 = arith.constant 0 : i32
    %dma_start3A_4 = tpu.memref_slice %arg2[%dma_start3A, %dma_start3A_3] : memref<8192x256xf32, #tpu.memory_space<hbm>> -> memref<8192x256xf32, #tpu.memory_space<hbm>>
    tpu.enqueue_indirect_dma source(%dma_start3A_4 : memref<8192x256xf32, #tpu.memory_space<hbm>>) target(%arg6 : memref<128x256xf32, #tpu.memory_space<vmem>>) offsets(%arg5 : memref<128xi32, #tpu.memory_space<vmem>>) semaphore(%arg7 : memref<!tpu.dma_semaphore, #tpu.memory_space<semaphore_mem>>)
    %dma_wait3A = arith.constant 0 : i32
    %dma_wait3A_5 = arith.constant 0 : i32
    %dma_wait3A_6 = tpu.memref_slice %arg2[%dma_wait3A, %dma_wait3A_5] : memref<8192x256xf32, #tpu.memory_space<hbm>> -> memref<8192x256xf32, #tpu.memory_space<hbm>>
    tpu.wait_indirect_dma semaphore(%arg7 : memref<!tpu.dma_semaphore, #tpu.memory_space<semaphore_mem>>) src(%dma_wait3A_6 : memref<8192x256xf32, #tpu.memory_space<hbm>>) dst(%arg6 : memref<128x256xf32, #tpu.memory_space<vmem>>)
    "tpu.region"() ({
      %run_scoped3A = tpu.sem_alloc : memref<!tpu.dma_semaphore, #tpu.memory_space<semaphore_mem>>
      %dma_start3A_7 = arith.constant 0 : i32
      %dma_start3A_8 = tpu.memref_slice %arg4[%mul3A_2, %dma_start3A_7] : memref<4096x256xf32, #tpu.memory_space<hbm>> -> memref<128x256xf32, #tpu.memory_space<hbm>>
      %dma_start3A_9 = arith.constant 0 : i32
      %dma_start3A_10 = tpu.memref_slice %arg4[%mul3A_2, %dma_start3A_9] : memref<4096x256xf32, #tpu.memory_space<hbm>> -> memref<128x256xf32, #tpu.memory_space<hbm>>
      tpu.enqueue_dma source(%arg6 : memref<128x256xf32, #tpu.memory_space<vmem>>) target(%dma_start3A_10 : memref<128x256xf32, #tpu.memory_space<hbm>>) target_semaphore(%run_scoped3A : memref<!tpu.dma_semaphore, #tpu.memory_space<semaphore_mem>>)
      %dma_wait3A_11 = arith.constant 0 : i32
      %dma_wait3A_12 = tpu.memref_slice %arg4[%mul3A_2, %dma_wait3A_11] : memref<4096x256xf32, #tpu.memory_space<hbm>> -> memref<128x256xf32, #tpu.memory_space<hbm>>
      %dma_wait3A_13 = arith.constant 0 : i32
      %dma_wait3A_14 = tpu.memref_slice %arg4[%mul3A_2, %dma_wait3A_13] : memref<4096x256xf32, #tpu.memory_space<hbm>> -> memref<128x256xf32, #tpu.memory_space<hbm>>
      tpu.wait_dma2 semaphore(%run_scoped3A : memref<!tpu.dma_semaphore, #tpu.memory_space<semaphore_mem>>) src(%arg6 : memref<128x256xf32, #tpu.memory_space<vmem>>) dst(%dma_wait3A_14 : memref<128x256xf32, #tpu.memory_space<hbm>>)
      tpu.yield
    }) : () -> ()
    return
  }
}

module attributes {stable_mosaic.version = 14 : i64} {
  func.func @_codebook_norms_body(%arg0: memref<8192x256xf32, #tpu.memory_space<vmem>>, %arg1: memref<8192xf32, #tpu.memory_space<vmem>>) attributes {dimension_semantics = [], scalar_prefetch = 0 : i64, scratch_operands = 0 : i64, tpu.core_type = #tpu.core_type<tc>} {
    %get3A = arith.constant 0 : index
    %get3A_0 = arith.constant 0 : index
    %get3A_1 = vector.load %arg0[%get3A, %get3A_0] : memref<8192x256xf32, #tpu.memory_space<vmem>>, vector<8192x256xf32>
    %mul3A = arith.mulf %get3A_1, %get3A_1 : vector<8192x256xf32>
    %reduce_sum3A = arith.constant dense<0.000000e+00> : vector<8192xf32>
    %reduce_sum3A_2 = vector.multi_reduction <add>, %mul3A, %reduce_sum3A [1] : vector<8192x256xf32> to vector<8192xf32>
    %swap3A = arith.constant 0 : index
    %swap3A_3 = vector.load %arg1[%swap3A] : memref<8192xf32, #tpu.memory_space<vmem>>, vector<8192xf32>
    tpu.vector_store %arg1[%swap3A], %reduce_sum3A_2 {strides = array<i32>} : memref<8192xf32, #tpu.memory_space<vmem>>, vector<8192xf32>,
    return
  }
}

module attributes {stable_mosaic.version = 14 : i64} {
  func.func @_distance_argmin_body(%arg0: i32, %arg1: memref<512x256xf32, #tpu.memory_space<vmem>>, %arg2: memref<8192x256xf32, #tpu.memory_space<vmem>>, %arg3: memref<8192xf32, #tpu.memory_space<vmem>>, %arg4: memref<1x1x512xi32, #tpu.memory_space<vmem>>, %arg5: memref<1x1x512xf32, #tpu.memory_space<vmem>>) attributes {dimension_semantics = [#tpu.dimension_semantics<parallel>], iteration_bounds = array<i64: 8>, scalar_prefetch = 0 : i64, scratch_operands = 0 : i64, tpu.core_type = #tpu.core_type<tc>, window_params = [{transform_indices = @transform_0, window_bounds = array<i64: 512, 256>}, {pipeline_mode = #tpu.pipeline_mode<synchronous>, transform_indices = @transform_1, window_bounds = array<i64: 8192, 256>}, {pipeline_mode = #tpu.pipeline_mode<synchronous>, transform_indices = @transform_2, window_bounds = array<i64: 8192>}, {transform_indices = @transform_3, window_bounds = array<i64: 1, 1, 512>}, {transform_indices = @transform_4, window_bounds = array<i64: 1, 1, 512>}]} {
    %get3A = arith.constant 0 : index
    %get3A_0 = arith.constant 0 : index
    %get3A_1 = vector.load %arg1[%get3A, %get3A_0] : memref<512x256xf32, #tpu.memory_space<vmem>>, vector<512x256xf32>
    %mul3A = arith.constant 2.000000e+00 : f32
    %mul3A_2 = vector.broadcast %mul3A : f32 to vector<512x256xf32>
    %mul3A_3 = arith.mulf %mul3A_2, %get3A_1 : vector<512x256xf32>
    %get3A_4 = arith.constant 0 : index
    %get3A_5 = arith.constant 0 : index
    %get3A_6 = vector.load %arg1[%get3A_4, %get3A_5] : memref<512x256xf32, #tpu.memory_space<vmem>>, vector<512x256xf32>
    %get3A_7 = arith.constant 0 : index
    %get3A_8 = arith.constant 0 : index
    %get3A_9 = vector.load %arg1[%get3A_7, %get3A_8] : memref<512x256xf32, #tpu.memory_space<vmem>>, vector<512x256xf32>
    %mul3A_10 = arith.mulf %get3A_6, %get3A_9 : vector<512x256xf32>
    %reduce_sum3A = arith.constant dense<0.000000e+00> : vector<512xf32>
    %reduce_sum3A_11 = vector.multi_reduction <add>, %mul3A_10, %reduce_sum3A [1] : vector<512x256xf32> to vector<512xf32>
    %broadcast_in_dim3A = vector.shape_cast %reduce_sum3A_11 : vector<512xf32> to vector<512x1xf32>
    %broadcast_in_dim3A_12 = arith.constant 0x7F800000 : f32
    %broadcast_in_dim3A_13 = vector.broadcast %broadcast_in_dim3A_12 : f32 to vector<512xf32>
    %broadcast_in_dim3A_14 = arith.constant 0 : i32
    %broadcast_in_dim3A_15 = vector.broadcast %broadcast_in_dim3A_14 : i32 to vector<512xi32>
    %get3A_16 = arith.constant 0 : index
    %get3A_17 = arith.constant 0 : index
    %get3A_18 = vector.load %arg2[%get3A_16, %get3A_17] : memref<8192x256xf32, #tpu.memory_space<vmem>>, vector<1024x256xf32>
    %get3A_19 = arith.constant 0 : index
    %get3A_20 = vector.load %arg3[%get3A_19] : memref<8192xf32, #tpu.memory_space<vmem>>, vector<1024xf32>
    %dot_general3A = arith.constant dense<0.000000e+00> : vector<512x1024xf32>
    %dot_general3A_21 = tpu.matmul %mul3A_3, %get3A_18, %dot_general3A {dimension_numbers = #tpu.dot_dimension_numbers<[1], [1], [0], [0], [0, 0, 1, 0], [], []>, transpose_lhs_hint = false} : vector<512x256xf32>, vector<1024x256xf32>, vector<512x1024xf32> -> vector<512x1024xf32>
    %broadcast_in_dim3A_22 = vector.shape_cast %get3A_20 : vector<1024xf32> to vector<1x1024xf32>
    %add3A = vector.broadcast %broadcast_in_dim3A : vector<512x1xf32> to vector<512x1024xf32>
    %add3A_23 = vector.broadcast %broadcast_in_dim3A_22 : vector<1x1024xf32> to vector<512x1024xf32>
    %add3A_24 = arith.addf %add3A, %add3A_23 : vector<512x1024xf32>
    %sub3A = arith.subf %add3A_24, %dot_general3A_21 : vector<512x1024xf32>
    %reduce_min3A = arith.constant dense<0x7F800000> : vector<512xf32>
    %reduce_min3A_25 = vector.multi_reduction <minimumf>, %sub3A, %reduce_min3A [1] : vector<512x1024xf32> to vector<512xf32>
    %iota3A = tpu.iota {dimensions = array<i32: 1>} : vector<512x1024xi32>
    %broadcast_in_dim3A_26 = vector.shape_cast %reduce_min3A_25 : vector<512xf32> to vector<512x1xf32>
    %eq3A = vector.broadcast %broadcast_in_dim3A_26 : vector<512x1xf32> to vector<512x1024xf32>
    %eq3A_27 = arith.cmpf oeq, %sub3A, %eq3A : vector<512x1024xf32>
    %jit3A = arith.constant 1073741824 : i32
    %broadcast_in_dim3A_28 = vector.broadcast %jit3A : i32 to vector<512x1024xi32>
    %select_n3A = arith.select %eq3A_27, %iota3A, %broadcast_in_dim3A_28 : vector<512x1024xi1>, vector<512x1024xi32>
    %reduce_min3A_29 = arith.constant dense<2147483647> : vector<512xi32>
    %reduce_min3A_30 = vector.multi_reduction <minsi>, %select_n3A, %reduce_min3A_29 [1] : vector<512x1024xi32> to vector<512xi32>
    %add3A_31 = arith.constant 0 : i32
    %add3A_32 = vector.broadcast %add3A_31 : i32 to vector<512xi32>
    %add3A_33 = arith.addi %reduce_min3A_30, %add3A_32 : vector<512xi32>
    %lt3A = arith.cmpf olt, %reduce_min3A_25, %broadcast_in_dim3A_13 : vector<512xf32>
    %select_n3A_34 = arith.select %lt3A, %add3A_33, %broadcast_in_dim3A_15 : vector<512xi1>, vector<512xi32>
    %select_n3A_35 = arith.select %lt3A, %reduce_min3A_25, %broadcast_in_dim3A_13 : vector<512xi1>, vector<512xf32>
    %get3A_36 = arith.constant 1024 : index
    %get3A_37 = arith.constant 0 : index
    %get3A_38 = vector.load %arg2[%get3A_36, %get3A_37] : memref<8192x256xf32, #tpu.memory_space<vmem>>, vector<1024x256xf32>
    %get3A_39 = arith.constant 1024 : index
    %get3A_40 = vector.load %arg3[%get3A_39] : memref<8192xf32, #tpu.memory_space<vmem>>, vector<1024xf32>
    %dot_general3A_41 = arith.constant dense<0.000000e+00> : vector<512x1024xf32>
    %dot_general3A_42 = tpu.matmul %mul3A_3, %get3A_38, %dot_general3A_41 {dimension_numbers = #tpu.dot_dimension_numbers<[1], [1], [0], [0], [0, 0, 1, 0], [], []>, transpose_lhs_hint = false} : vector<512x256xf32>, vector<1024x256xf32>, vector<512x1024xf32> -> vector<512x1024xf32>
    %broadcast_in_dim3A_43 = vector.shape_cast %get3A_40 : vector<1024xf32> to vector<1x1024xf32>
    %add3A_44 = vector.broadcast %broadcast_in_dim3A : vector<512x1xf32> to vector<512x1024xf32>
    %add3A_45 = vector.broadcast %broadcast_in_dim3A_43 : vector<1x1024xf32> to vector<512x1024xf32>
    %add3A_46 = arith.addf %add3A_44, %add3A_45 : vector<512x1024xf32>
    %sub3A_47 = arith.subf %add3A_46, %dot_general3A_42 : vector<512x1024xf32>
    %reduce_min3A_48 = arith.constant dense<0x7F800000> : vector<512xf32>
    %reduce_min3A_49 = vector.multi_reduction <minimumf>, %sub3A_47, %reduce_min3A_48 [1] : vector<512x1024xf32> to vector<512xf32>
    %iota3A_50 = tpu.iota {dimensions = array<i32: 1>} : vector<512x1024xi32>
    %broadcast_in_dim3A_51 = vector.shape_cast %reduce_min3A_49 : vector<512xf32> to vector<512x1xf32>
    %eq3A_52 = vector.broadcast %broadcast_in_dim3A_51 : vector<512x1xf32> to vector<512x1024xf32>
    %eq3A_53 = arith.cmpf oeq, %sub3A_47, %eq3A_52 : vector<512x1024xf32>
    %jit3A_54 = arith.constant 1073741824 : i32
    %broadcast_in_dim3A_55 = vector.broadcast %jit3A_54 : i32 to vector<512x1024xi32>
    %select_n3A_56 = arith.select %eq3A_53, %iota3A_50, %broadcast_in_dim3A_55 : vector<512x1024xi1>, vector<512x1024xi32>
    %reduce_min3A_57 = arith.constant dense<2147483647> : vector<512xi32>
    %reduce_min3A_58 = vector.multi_reduction <minsi>, %select_n3A_56, %reduce_min3A_57 [1] : vector<512x1024xi32> to vector<512xi32>
    %add3A_59 = arith.constant 1024 : i32
    %add3A_60 = vector.broadcast %add3A_59 : i32 to vector<512xi32>
    %add3A_61 = arith.addi %reduce_min3A_58, %add3A_60 : vector<512xi32>
    %lt3A_62 = arith.cmpf olt, %reduce_min3A_49, %select_n3A_35 : vector<512xf32>
    %select_n3A_63 = arith.select %lt3A_62, %add3A_61, %select_n3A_34 : vector<512xi1>, vector<512xi32>
    %select_n3A_64 = arith.select %lt3A_62, %reduce_min3A_49, %select_n3A_35 : vector<512xi1>, vector<512xf32>
    %get3A_65 = arith.constant 2048 : index
    %get3A_66 = arith.constant 0 : index
    %get3A_67 = vector.load %arg2[%get3A_65, %get3A_66] : memref<8192x256xf32, #tpu.memory_space<vmem>>, vector<1024x256xf32>
    %get3A_68 = arith.constant 2048 : index
    %get3A_69 = vector.load %arg3[%get3A_68] : memref<8192xf32, #tpu.memory_space<vmem>>, vector<1024xf32>
    %dot_general3A_70 = arith.constant dense<0.000000e+00> : vector<512x1024xf32>
    %dot_general3A_71 = tpu.matmul %mul3A_3, %get3A_67, %dot_general3A_70 {dimension_numbers = #tpu.dot_dimension_numbers<[1], [1], [0], [0], [0, 0, 1, 0], [], []>, transpose_lhs_hint = false} : vector<512x256xf32>, vector<1024x256xf32>, vector<512x1024xf32> -> vector<512x1024xf32>
    %broadcast_in_dim3A_72 = vector.shape_cast %get3A_69 : vector<1024xf32> to vector<1x1024xf32>
    %add3A_73 = vector.broadcast %broadcast_in_dim3A : vector<512x1xf32> to vector<512x1024xf32>
    %add3A_74 = vector.broadcast %broadcast_in_dim3A_72 : vector<1x1024xf32> to vector<512x1024xf32>
    %add3A_75 = arith.addf %add3A_73, %add3A_74 : vector<512x1024xf32>
    %sub3A_76 = arith.subf %add3A_75, %dot_general3A_71 : vector<512x1024xf32>
    %reduce_min3A_77 = arith.constant dense<0x7F800000> : vector<512xf32>
    %reduce_min3A_78 = vector.multi_reduction <minimumf>, %sub3A_76, %reduce_min3A_77 [1] : vector<512x1024xf32> to vector<512xf32>
    %iota3A_79 = tpu.iota {dimensions = array<i32: 1>} : vector<512x1024xi32>
    %broadcast_in_dim3A_80 = vector.shape_cast %reduce_min3A_78 : vector<512xf32> to vector<512x1xf32>
    %eq3A_81 = vector.broadcast %broadcast_in_dim3A_80 : vector<512x1xf32> to vector<512x1024xf32>
    %eq3A_82 = arith.cmpf oeq, %sub3A_76, %eq3A_81 : vector<512x1024xf32>
    %jit3A_83 = arith.constant 1073741824 : i32
    %broadcast_in_dim3A_84 = vector.broadcast %jit3A_83 : i32 to vector<512x1024xi32>
    %select_n3A_85 = arith.select %eq3A_82, %iota3A_79, %broadcast_in_dim3A_84 : vector<512x1024xi1>, vector<512x1024xi32>
    %reduce_min3A_86 = arith.constant dense<2147483647> : vector<512xi32>
    %reduce_min3A_87 = vector.multi_reduction <minsi>, %select_n3A_85, %reduce_min3A_86 [1] : vector<512x1024xi32> to vector<512xi32>
    %add3A_88 = arith.constant 2048 : i32
    %add3A_89 = vector.broadcast %add3A_88 : i32 to vector<512xi32>
    %add3A_90 = arith.addi %reduce_min3A_87, %add3A_89 : vector<512xi32>
    %lt3A_91 = arith.cmpf olt, %reduce_min3A_78, %select_n3A_64 : vector<512xf32>
    %select_n3A_92 = arith.select %lt3A_91, %add3A_90, %select_n3A_63 : vector<512xi1>, vector<512xi32>
    %select_n3A_93 = arith.select %lt3A_91, %reduce_min3A_78, %select_n3A_64 : vector<512xi1>, vector<512xf32>
    %get3A_94 = arith.constant 3072 : index
    %get3A_95 = arith.constant 0 : index
    %get3A_96 = vector.load %arg2[%get3A_94, %get3A_95] : memref<8192x256xf32, #tpu.memory_space<vmem>>, vector<1024x256xf32>
    %get3A_97 = arith.constant 3072 : index
    %get3A_98 = vector.load %arg3[%get3A_97] : memref<8192xf32, #tpu.memory_space<vmem>>, vector<1024xf32>
    %dot_general3A_99 = arith.constant dense<0.000000e+00> : vector<512x1024xf32>
    %dot_general3A_100 = tpu.matmul %mul3A_3, %get3A_96, %dot_general3A_99 {dimension_numbers = #tpu.dot_dimension_numbers<[1], [1], [0], [0], [0, 0, 1, 0], [], []>, transpose_lhs_hint = false} : vector<512x256xf32>, vector<1024x256xf32>, vector<512x1024xf32> -> vector<512x1024xf32>
    %broadcast_in_dim3A_101 = vector.shape_cast %get3A_98 : vector<1024xf32> to vector<1x1024xf32>
    %add3A_102 = vector.broadcast %broadcast_in_dim3A : vector<512x1xf32> to vector<512x1024xf32>
    %add3A_103 = vector.broadcast %broadcast_in_dim3A_101 : vector<1x1024xf32> to vector<512x1024xf32>
    %add3A_104 = arith.addf %add3A_102, %add3A_103 : vector<512x1024xf32>
    %sub3A_105 = arith.subf %add3A_104, %dot_general3A_100 : vector<512x1024xf32>
    %reduce_min3A_106 = arith.constant dense<0x7F800000> : vector<512xf32>
    %reduce_min3A_107 = vector.multi_reduction <minimumf>, %sub3A_105, %reduce_min3A_106 [1] : vector<512x1024xf32> to vector<512xf32>
    %iota3A_108 = tpu.iota {dimensions = array<i32: 1>} : vector<512x1024xi32>
    %broadcast_in_dim3A_109 = vector.shape_cast %reduce_min3A_107 : vector<512xf32> to vector<512x1xf32>
    %eq3A_110 = vector.broadcast %broadcast_in_dim3A_109 : vector<512x1xf32> to vector<512x1024xf32>
    %eq3A_111 = arith.cmpf oeq, %sub3A_105, %eq3A_110 : vector<512x1024xf32>
    %jit3A_112 = arith.constant 1073741824 : i32
    %broadcast_in_dim3A_113 = vector.broadcast %jit3A_112 : i32 to vector<512x1024xi32>
    %select_n3A_114 = arith.select %eq3A_111, %iota3A_108, %broadcast_in_dim3A_113 : vector<512x1024xi1>, vector<512x1024xi32>
    %reduce_min3A_115 = arith.constant dense<2147483647> : vector<512xi32>
    %reduce_min3A_116 = vector.multi_reduction <minsi>, %select_n3A_114, %reduce_min3A_115 [1] : vector<512x1024xi32> to vector<512xi32>
    %add3A_117 = arith.constant 3072 : i32
    %add3A_118 = vector.broadcast %add3A_117 : i32 to vector<512xi32>
    %add3A_119 = arith.addi %reduce_min3A_116, %add3A_118 : vector<512xi32>
    %lt3A_120 = arith.cmpf olt, %reduce_min3A_107, %select_n3A_93 : vector<512xf32>
    %select_n3A_121 = arith.select %lt3A_120, %add3A_119, %select_n3A_92 : vector<512xi1>, vector<512xi32>
    %select_n3A_122 = arith.select %lt3A_120, %reduce_min3A_107, %select_n3A_93 : vector<512xi1>, vector<512xf32>
    %get3A_123 = arith.constant 4096 : index
    %get3A_124 = arith.constant 0 : index
    %get3A_125 = vector.load %arg2[%get3A_123, %get3A_124] : memref<8192x256xf32, #tpu.memory_space<vmem>>, vector<1024x256xf32>
    %get3A_126 = arith.constant 4096 : index
    %get3A_127 = vector.load %arg3[%get3A_126] : memref<8192xf32, #tpu.memory_space<vmem>>, vector<1024xf32>
    %dot_general3A_128 = arith.constant dense<0.000000e+00> : vector<512x1024xf32>
    %dot_general3A_129 = tpu.matmul %mul3A_3, %get3A_125, %dot_general3A_128 {dimension_numbers = #tpu.dot_dimension_numbers<[1], [1], [0], [0], [0, 0, 1, 0], [], []>, transpose_lhs_hint = false} : vector<512x256xf32>, vector<1024x256xf32>, vector<512x1024xf32> -> vector<512x1024xf32>
    %broadcast_in_dim3A_130 = vector.shape_cast %get3A_127 : vector<1024xf32> to vector<1x1024xf32>
    %add3A_131 = vector.broadcast %broadcast_in_dim3A : vector<512x1xf32> to vector<512x1024xf32>
    %add3A_132 = vector.broadcast %broadcast_in_dim3A_130 : vector<1x1024xf32> to vector<512x1024xf32>
    %add3A_133 = arith.addf %add3A_131, %add3A_132 : vector<512x1024xf32>
    %sub3A_134 = arith.subf %add3A_133, %dot_general3A_129 : vector<512x1024xf32>
    %reduce_min3A_135 = arith.constant dense<0x7F800000> : vector<512xf32>
    %reduce_min3A_136 = vector.multi_reduction <minimumf>, %sub3A_134, %reduce_min3A_135 [1] : vector<512x1024xf32> to vector<512xf32>
    %iota3A_137 = tpu.iota {dimensions = array<i32: 1>} : vector<512x1024xi32>
    %broadcast_in_dim3A_138 = vector.shape_cast %reduce_min3A_136 : vector<512xf32> to vector<512x1xf32>
    %eq3A_139 = vector.broadcast %broadcast_in_dim3A_138 : vector<512x1xf32> to vector<512x1024xf32>
    %eq3A_140 = arith.cmpf oeq, %sub3A_134, %eq3A_139 : vector<512x1024xf32>
    %jit3A_141 = arith.constant 1073741824 : i32
    %broadcast_in_dim3A_142 = vector.broadcast %jit3A_141 : i32 to vector<512x1024xi32>
    %select_n3A_143 = arith.select %eq3A_140, %iota3A_137, %broadcast_in_dim3A_142 : vector<512x1024xi1>, vector<512x1024xi32>
    %reduce_min3A_144 = arith.constant dense<2147483647> : vector<512xi32>
    %reduce_min3A_145 = vector.multi_reduction <minsi>, %select_n3A_143, %reduce_min3A_144 [1] : vector<512x1024xi32> to vector<512xi32>
    %add3A_146 = arith.constant 4096 : i32
    %add3A_147 = vector.broadcast %add3A_146 : i32 to vector<512xi32>
    %add3A_148 = arith.addi %reduce_min3A_145, %add3A_147 : vector<512xi32>
    %lt3A_149 = arith.cmpf olt, %reduce_min3A_136, %select_n3A_122 : vector<512xf32>
    %select_n3A_150 = arith.select %lt3A_149, %add3A_148, %select_n3A_121 : vector<512xi1>, vector<512xi32>
    %select_n3A_151 = arith.select %lt3A_149, %reduce_min3A_136, %select_n3A_122 : vector<512xi1>, vector<512xf32>
    %get3A_152 = arith.constant 5120 : index
    %get3A_153 = arith.constant 0 : index
    %get3A_154 = vector.load %arg2[%get3A_152, %get3A_153] : memref<8192x256xf32, #tpu.memory_space<vmem>>, vector<1024x256xf32>
    %get3A_155 = arith.constant 5120 : index
    %get3A_156 = vector.load %arg3[%get3A_155] : memref<8192xf32, #tpu.memory_space<vmem>>, vector<1024xf32>
    %dot_general3A_157 = arith.constant dense<0.000000e+00> : vector<512x1024xf32>
    %dot_general3A_158 = tpu.matmul %mul3A_3, %get3A_154, %dot_general3A_157 {dimension_numbers = #tpu.dot_dimension_numbers<[1], [1], [0], [0], [0, 0, 1, 0], [], []>, transpose_lhs_hint = false} : vector<512x256xf32>, vector<1024x256xf32>, vector<512x1024xf32> -> vector<512x1024xf32>
    %broadcast_in_dim3A_159 = vector.shape_cast %get3A_156 : vector<1024xf32> to vector<1x1024xf32>
    %add3A_160 = vector.broadcast %broadcast_in_dim3A : vector<512x1xf32> to vector<512x1024xf32>
    %add3A_161 = vector.broadcast %broadcast_in_dim3A_159 : vector<1x1024xf32> to vector<512x1024xf32>
    %add3A_162 = arith.addf %add3A_160, %add3A_161 : vector<512x1024xf32>
    %sub3A_163 = arith.subf %add3A_162, %dot_general3A_158 : vector<512x1024xf32>
    %reduce_min3A_164 = arith.constant dense<0x7F800000> : vector<512xf32>
    %reduce_min3A_165 = vector.multi_reduction <minimumf>, %sub3A_163, %reduce_min3A_164 [1] : vector<512x1024xf32> to vector<512xf32>
    %iota3A_166 = tpu.iota {dimensions = array<i32: 1>} : vector<512x1024xi32>
    %broadcast_in_dim3A_167 = vector.shape_cast %reduce_min3A_165 : vector<512xf32> to vector<512x1xf32>
    %eq3A_168 = vector.broadcast %broadcast_in_dim3A_167 : vector<512x1xf32> to vector<512x1024xf32>
    %eq3A_169 = arith.cmpf oeq, %sub3A_163, %eq3A_168 : vector<512x1024xf32>
    %jit3A_170 = arith.constant 1073741824 : i32
    %broadcast_in_dim3A_171 = vector.broadcast %jit3A_170 : i32 to vector<512x1024xi32>
    %select_n3A_172 = arith.select %eq3A_169, %iota3A_166, %broadcast_in_dim3A_171 : vector<512x1024xi1>, vector<512x1024xi32>
    %reduce_min3A_173 = arith.constant dense<2147483647> : vector<512xi32>
    %reduce_min3A_174 = vector.multi_reduction <minsi>, %select_n3A_172, %reduce_min3A_173 [1] : vector<512x1024xi32> to vector<512xi32>
    %add3A_175 = arith.constant 5120 : i32
    %add3A_176 = vector.broadcast %add3A_175 : i32 to vector<512xi32>
    %add3A_177 = arith.addi %reduce_min3A_174, %add3A_176 : vector<512xi32>
    %lt3A_178 = arith.cmpf olt, %reduce_min3A_165, %select_n3A_151 : vector<512xf32>
    %select_n3A_179 = arith.select %lt3A_178, %add3A_177, %select_n3A_150 : vector<512xi1>, vector<512xi32>
    %select_n3A_180 = arith.select %lt3A_178, %reduce_min3A_165, %select_n3A_151 : vector<512xi1>, vector<512xf32>
    %get3A_181 = arith.constant 6144 : index
    %get3A_182 = arith.constant 0 : index
    %get3A_183 = vector.load %arg2[%get3A_181, %get3A_182] : memref<8192x256xf32, #tpu.memory_space<vmem>>, vector<1024x256xf32>
    %get3A_184 = arith.constant 6144 : index
    %get3A_185 = vector.load %arg3[%get3A_184] : memref<8192xf32, #tpu.memory_space<vmem>>, vector<1024xf32>
    %dot_general3A_186 = arith.constant dense<0.000000e+00> : vector<512x1024xf32>
    %dot_general3A_187 = tpu.matmul %mul3A_3, %get3A_183, %dot_general3A_186 {dimension_numbers = #tpu.dot_dimension_numbers<[1], [1], [0], [0], [0, 0, 1, 0], [], []>, transpose_lhs_hint = false} : vector<512x256xf32>, vector<1024x256xf32>, vector<512x1024xf32> -> vector<512x1024xf32>
    %broadcast_in_dim3A_188 = vector.shape_cast %get3A_185 : vector<1024xf32> to vector<1x1024xf32>
    %add3A_189 = vector.broadcast %broadcast_in_dim3A : vector<512x1xf32> to vector<512x1024xf32>
    %add3A_190 = vector.broadcast %broadcast_in_dim3A_188 : vector<1x1024xf32> to vector<512x1024xf32>
    %add3A_191 = arith.addf %add3A_189, %add3A_190 : vector<512x1024xf32>
    %sub3A_192 = arith.subf %add3A_191, %dot_general3A_187 : vector<512x1024xf32>
    %reduce_min3A_193 = arith.constant dense<0x7F800000> : vector<512xf32>
    %reduce_min3A_194 = vector.multi_reduction <minimumf>, %sub3A_192, %reduce_min3A_193 [1] : vector<512x1024xf32> to vector<512xf32>
    %iota3A_195 = tpu.iota {dimensions = array<i32: 1>} : vector<512x1024xi32>
    %broadcast_in_dim3A_196 = vector.shape_cast %reduce_min3A_194 : vector<512xf32> to vector<512x1xf32>
    %eq3A_197 = vector.broadcast %broadcast_in_dim3A_196 : vector<512x1xf32> to vector<512x1024xf32>
    %eq3A_198 = arith.cmpf oeq, %sub3A_192, %eq3A_197 : vector<512x1024xf32>
    %jit3A_199 = arith.constant 1073741824 : i32
    %broadcast_in_dim3A_200 = vector.broadcast %jit3A_199 : i32 to vector<512x1024xi32>
    %select_n3A_201 = arith.select %eq3A_198, %iota3A_195, %broadcast_in_dim3A_200 : vector<512x1024xi1>, vector<512x1024xi32>
    %reduce_min3A_202 = arith.constant dense<2147483647> : vector<512xi32>
    %reduce_min3A_203 = vector.multi_reduction <minsi>, %select_n3A_201, %reduce_min3A_202 [1] : vector<512x1024xi32> to vector<512xi32>
    %add3A_204 = arith.constant 6144 : i32
    %add3A_205 = vector.broadcast %add3A_204 : i32 to vector<512xi32>
    %add3A_206 = arith.addi %reduce_min3A_203, %add3A_205 : vector<512xi32>
    %lt3A_207 = arith.cmpf olt, %reduce_min3A_194, %select_n3A_180 : vector<512xf32>
    %select_n3A_208 = arith.select %lt3A_207, %add3A_206, %select_n3A_179 : vector<512xi1>, vector<512xi32>
    %select_n3A_209 = arith.select %lt3A_207, %reduce_min3A_194, %select_n3A_180 : vector<512xi1>, vector<512xf32>
    %get3A_210 = arith.constant 7168 : index
    %get3A_211 = arith.constant 0 : index
    %get3A_212 = vector.load %arg2[%get3A_210, %get3A_211] : memref<8192x256xf32, #tpu.memory_space<vmem>>, vector<1024x256xf32>
    %get3A_213 = arith.constant 7168 : index
    %get3A_214 = vector.load %arg3[%get3A_213] : memref<8192xf32, #tpu.memory_space<vmem>>, vector<1024xf32>
    %dot_general3A_215 = arith.constant dense<0.000000e+00> : vector<512x1024xf32>
    %dot_general3A_216 = tpu.matmul %mul3A_3, %get3A_212, %dot_general3A_215 {dimension_numbers = #tpu.dot_dimension_numbers<[1], [1], [0], [0], [0, 0, 1, 0], [], []>, transpose_lhs_hint = false} : vector<512x256xf32>, vector<1024x256xf32>, vector<512x1024xf32> -> vector<512x1024xf32>
    %broadcast_in_dim3A_217 = vector.shape_cast %get3A_214 : vector<1024xf32> to vector<1x1024xf32>
    %add3A_218 = vector.broadcast %broadcast_in_dim3A : vector<512x1xf32> to vector<512x1024xf32>
    %add3A_219 = vector.broadcast %broadcast_in_dim3A_217 : vector<1x1024xf32> to vector<512x1024xf32>
    %add3A_220 = arith.addf %add3A_218, %add3A_219 : vector<512x1024xf32>
    %sub3A_221 = arith.subf %add3A_220, %dot_general3A_216 : vector<512x1024xf32>
    %reduce_min3A_222 = arith.constant dense<0x7F800000> : vector<512xf32>
    %reduce_min3A_223 = vector.multi_reduction <minimumf>, %sub3A_221, %reduce_min3A_222 [1] : vector<512x1024xf32> to vector<512xf32>
    %iota3A_224 = tpu.iota {dimensions = array<i32: 1>} : vector<512x1024xi32>
    %broadcast_in_dim3A_225 = vector.shape_cast %reduce_min3A_223 : vector<512xf32> to vector<512x1xf32>
    %eq3A_226 = vector.broadcast %broadcast_in_dim3A_225 : vector<512x1xf32> to vector<512x1024xf32>
    %eq3A_227 = arith.cmpf oeq, %sub3A_221, %eq3A_226 : vector<512x1024xf32>
    %jit3A_228 = arith.constant 1073741824 : i32
    %broadcast_in_dim3A_229 = vector.broadcast %jit3A_228 : i32 to vector<512x1024xi32>
    %select_n3A_230 = arith.select %eq3A_227, %iota3A_224, %broadcast_in_dim3A_229 : vector<512x1024xi1>, vector<512x1024xi32>
    %reduce_min3A_231 = arith.constant dense<2147483647> : vector<512xi32>
    %reduce_min3A_232 = vector.multi_reduction <minsi>, %select_n3A_230, %reduce_min3A_231 [1] : vector<512x1024xi32> to vector<512xi32>
    %add3A_233 = arith.constant 7168 : i32
    %add3A_234 = vector.broadcast %add3A_233 : i32 to vector<512xi32>
    %add3A_235 = arith.addi %reduce_min3A_232, %add3A_234 : vector<512xi32>
    %lt3A_236 = arith.cmpf olt, %reduce_min3A_223, %select_n3A_209 : vector<512xf32>
    %select_n3A_237 = arith.select %lt3A_236, %add3A_235, %select_n3A_208 : vector<512xi1>, vector<512xi32>
    %select_n3A_238 = arith.select %lt3A_236, %reduce_min3A_223, %select_n3A_209 : vector<512xi1>, vector<512xf32>
    %swap3A = arith.constant 0 : index
    %swap3A_239 = arith.constant 0 : index
    %swap3A_240 = arith.constant 0 : index
    %swap3A_241 = vector.load %arg4[%swap3A, %swap3A_239, %swap3A_240] : memref<1x1x512xi32, #tpu.memory_space<vmem>>, vector<1x1x512xi32>
    %swap3A_242 = vector.shape_cast %swap3A_241 : vector<1x1x512xi32> to vector<512xi32>
    %swap3A_243 = vector.shape_cast %select_n3A_237 : vector<512xi32> to vector<1x1x512xi32>
    tpu.vector_store %arg4[%swap3A, %swap3A_239, %swap3A_240], %swap3A_243 {strides = array<i32>} : memref<1x1x512xi32, #tpu.memory_space<vmem>>, vector<1x1x512xi32>,
    %swap3A_244 = arith.constant 0 : index
    %swap3A_245 = arith.constant 0 : index
    %swap3A_246 = arith.constant 0 : index
    %swap3A_247 = vector.load %arg5[%swap3A_244, %swap3A_245, %swap3A_246] : memref<1x1x512xf32, #tpu.memory_space<vmem>>, vector<1x1x512xf32>
    %swap3A_248 = vector.shape_cast %swap3A_247 : vector<1x1x512xf32> to vector<512xf32>
    %swap3A_249 = vector.shape_cast %select_n3A_238 : vector<512xf32> to vector<1x1x512xf32>
    tpu.vector_store %arg5[%swap3A_244, %swap3A_245, %swap3A_246], %swap3A_249 {strides = array<i32>} : memref<1x1x512xf32, #tpu.memory_space<vmem>>, vector<1x1x512xf32>,
    return
  }
  func.func @transform_0(%arg0: i32) -> (i32, i32) {
    %c0_i32 = arith.constant 0 : i32
    %c0_i32_0 = arith.constant 0 : i32
    return %arg0, %c0_i32 : i32, i32
  }
  func.func @transform_1(%arg0: i32) -> (i32, i32) {
    %c0_i32 = arith.constant 0 : i32
    %c0_i32_0 = arith.constant 0 : i32
    %c0_i32_1 = arith.constant 0 : i32
    return %c0_i32, %c0_i32_0 : i32, i32
  }
  func.func @transform_2(%arg0: i32) -> i32 {
    %c0_i32 = arith.constant 0 : i32
    %c0_i32_0 = arith.constant 0 : i32
    return %c0_i32 : i32
  }
  func.func @transform_3(%arg0: i32) -> (i32, i32, i32) {
    %c0_i32 = arith.constant 0 : i32
    %c0_i32_0 = arith.constant 0 : i32
    %c0_i32_1 = arith.constant 0 : i32
    return %arg0, %c0_i32, %c0_i32_0 : i32, i32, i32
  }
  func.func @transform_4(%arg0: i32) -> (i32, i32, i32) {
    %c0_i32 = arith.constant 0 : i32
    %c0_i32_0 = arith.constant 0 : i32
    %c0_i32_1 = arith.constant 0 : i32
    return %arg0, %c0_i32, %c0_i32_0 : i32, i32, i32
  }
}

</mosaic_0001>

<sc_bundles>
// kernel: kernel.5.cloned.1.call-start
scs
__scs_entry_jumppad:
0x0: {  	(pc) =	sbr.rel $0x88, $3  }
0x1: {  	(tag) =	ssettag $0x0;
	lr =	simm.s32 $0x1  }
0x2: {  	[smem:$0x3F9F] =	sst lr;
	_ =	strace $0xD0000000  }
0x3: {  	_ = 	snop  }
0x4: {  	_ = 	snop  }
0x5: {  	_ = 	snop  }
0x6: {  	_ = 	snop  }
0x7: {  	_ = 	snop  }
__scs_overlays_trampoline_lowered:
0x8: {  	[smem:$0x3FAE] =	sst s0  }
0x9: {  	[smem:$0x3FAF] =	sst s1  }
0xa: {  	[smem:$0x3FB0] =	sst s2  }
0xb: {  	[smem:$0x3FB1] =	sst s3  }
0xc: {  	[smem:$0x3FB2] =	sst s4  }
0xd: {  	[smem:$0x3FB3] =	sst s5  }
0xe: {  	[smem:$0x3FB4] =	sst s6  }
0xf: {  	[smem:$0x3FB5] =	sst s7  }
0x10: {  	[smem:$0x3FB6] =	sst s8  }
0x11: {  	[smem:$0x3FB7] =	sst s9;
	s0 =	simm.s32 @!p0 $0x0  }
0x12: {  	s1 =	sld [smem:$0x3F9D];
	s0 =	simm.s32 @p0 $0x1  }
0x13: {  	[smem:$0x3FB8] =	sst s0;
	s0 =	simm.s32 @!p1 $0x0  }
0x14: {  	s2 =	sld [smem:$0x3F9C];
	s0 =	simm.s32 @p1 $0x1  }
0x15: {  	[smem:$0x3FB9] =	sst s0;
	s0 =	simm.s32 @!p2 $0x0  }
0x16: {  	s3 =	sld [smem:$0x3FDB];
	s0 =	simm.s32 @p2 $0x1  }
0x17: {  	s4 =	simm.s32 $0x1BF5;
	[smem:$0x3FBB] =	sst s0  }
0x18: {  	s0 =	sld [smem:$0x3F9E];
	_ =	swait.ge [sflag:s4], $0x0  }
0x19: {  	s7 =	sld [smem:$0x3F9F]  }
0x1a: {  	s8 =	sadd.s32 $0xFFFFE003, lr  }
0x1b: {  	s9 =	sadd.s32 $0xFFFFFEF7, lr;
	s5 =	simm.s32 $0xFFFFFFFF;
	p2 =	slt.u32 s8, $0xFFFFF086  }
0x1c: {  	p1 =	slt.u32 s9, $0xF7A;
	s5 =	simm.s32 @!p2 $0x0  }
0x1d: {  	s5 =	simm.s32 @p1 $0x1;
	p0 =	seq.s32 s7, s2  }
0x1e: {  	s7 =	smul.u32 @!p0 $0xF7A, s2;
	p2 =	seq.s32 @!p0 s5, $0x0  }
0x1f: {  	s9 =	smul.u32 $0xF7A, s1;
	s8 =	simm.s32 @!p0 $0x1BF5;
	p2 =	por !p2, p0  }
0x20: {  	[sflag:s8] =	ssyncset.s32 @!p0 $0xFFFFF086;
	s6 =	sadd.s32 @!p0 s3, s7;
	s7 =	simm.s32 @!p0 $0x108  }
0x21: {  	s3 =	sadd.s32 s3, s9;
	s6 =	sadd.s32 @!p0 $0x88, s6;
	s7 =	simm.s32 @p2 $0x1082  }
0x22: {  	[simem:s7], [sflag:s8] =	dma.local @!p0 [hbm:s6], $0xF7A  }
0x23: {  	s9 =	sor.u32 $0xD0000000, s2;
	s6 =	simm.s32 $0x108;
	_ =	swait.ge @!p0 [sflag:s8], $0x0  }
0x24: {  	s3 =	sadd.s32 $0x88, s3;
	s6 =	simm.s32 @!p1 $0x1082;
	[sflag:s4] =	ssyncset.s32 $0xFFFFF086  }
0x25: {  	[simem:s6], [sflag:s4] =	dma.local [hbm:s3], $0xF7A  }
0x26: {  	[smem:$0x3F9F] =	sst s1;
	(tag) =	ssettag s2;
	_ =	strace s9  }
0x27: {  	s1 =	sld [smem:$0x3FAF]  }
0x28: {  	s2 =	sld [smem:$0x3FB0]  }
0x29: {  	s4 =	sld [smem:$0x3FB2]  }
0x2a: {  	p0 =	seq.s32 s5, $0x0;
	s5 =	sld [smem:$0x3FB3]  }
0x2b: {  	s6 =	sld [smem:$0x3FB4]  }
0x2c: {  	s7 =	sld [smem:$0x3FB5]  }
0x2d: {  	s3 =	simm.s32 $0x108;
	s8 =	sld [smem:$0x3FB6]  }
0x2e: {  	s3 =	simm.s32 @!p0 $0x1082;
	s9 =	sld [smem:$0x3FB7]  }
0x2f: {  	lr =	sadd.s32 s0, s3;
	s0 =	sld [smem:$0x3FAE]  }
0x30: {  	s3 =	sld [smem:$0x3FB1]  }
0x31: {  	[smem:$0x3FBA] =	sst s10  }
0x32: {  	s10 =	sld [smem:$0x3FB8];
	_ =	sdelay $0x3  }
0x33: {  	p0 =	seq.s32 s10, $0x1;
	s10 =	sld [smem:$0x3FBA];
	_ =	sdelay $0x3  }
0x34: {  	[smem:$0x3FBA] =	sst s10  }
0x35: {  	s10 =	sld [smem:$0x3FB9];
	_ =	sdelay $0x3  }
0x36: {  	p1 =	seq.s32 s10, $0x1;
	s10 =	sld [smem:$0x3FBA];
	_ =	sdelay $0x3  }
0x37: {  	[smem:$0x3FBA] =	sst s10  }
0x38: {  	s10 =	sld [smem:$0x3FBB]  }
0x39: {  	_ = 	snop;
	(pc) =	sbr.ind lr, $3  }
0x3a: {  	_ = 	snop  }
0x3b: {  	_ = 	snop  }
0x3c: {  	p2 =	seq.s32 s10, $0x1;
	s10 =	sld [smem:$0x3FBA]  }
0x3d: {  	_ =	shalt  }
0x3e: {  	_ =	shalt  }
0x3f: {  	_ =	shalt  }
0x40: {  	_ =	shalt  }
0x41: {  	_ =	shalt  }
0x42: {  	_ =	shalt  }
0x43: {  	_ =	shalt  }
0x44: {  	_ =	shalt  }
0x45: {  	_ =	shalt  }
0x46: {  	_ =	shalt  }
0x47: {  	_ =	shalt  }
0x48: {  	_ =	shalt  }
0x49: {  	_ =	shalt  }
0x4a: {  	_ =	shalt  }
0x4b: {  	_ =	shalt  }
0x4c: {  	_ =	shalt  }
0x4d: {  	_ =	shalt  }
0x4e: {  	_ =	shalt  }
0x4f: {  	_ =	shalt  }
0x50: {  	_ =	shalt  }
0x51: {  	_ =	shalt  }
0x52: {  	_ =	shalt  }
0x53: {  	_ =	shalt  }
0x54: {  	_ =	shalt  }
0x55: {  	_ =	shalt  }
0x56: {  	_ =	shalt  }
0x57: {  	_ =	shalt  }
0x58: {  	_ =	shalt  }
0x59: {  	_ =	shalt  }
0x5a: {  	_ =	shalt  }
0x5b: {  	_ =	shalt  }
0x5c: {  	_ =	shalt  }
0x5d: {  	_ =	shalt  }
0x5e: {  	_ =	shalt  }
0x5f: {  	_ =	shalt  }
0x60: {  	_ =	shalt  }
0x61: {  	_ =	shalt  }
0x62: {  	_ =	shalt  }
0x63: {  	_ =	shalt  }
0x64: {  	_ =	shalt  }
0x65: {  	_ =	shalt  }
0x66: {  	_ =	shalt  }
0x67: {  	_ =	shalt  }
0x68: {  	_ =	shalt  }
0x69: {  	_ =	shalt  }
0x6a: {  	_ =	shalt  }
0x6b: {  	_ =	shalt  }
0x6c: {  	_ =	shalt  }
0x6d: {  	_ =	shalt  }
0x6e: {  	_ =	shalt  }
0x6f: {  	_ =	shalt  }
0x70: {  	_ =	shalt  }
0x71: {  	_ =	shalt  }
0x72: {  	_ =	shalt  }
0x73: {  	_ =	shalt  }
0x74: {  	_ =	shalt  }
0x75: {  	_ =	shalt  }
0x76: {  	_ =	shalt  }
0x77: {  	_ =	shalt  }
0x78: {  	_ =	shalt  }
0x79: {  	_ =	shalt  }
0x7a: {  	_ =	shalt  }
0x7b: {  	_ =	shalt  }
0x7c: {  	_ =	shalt  }
0x7d: {  	_ =	shalt  }
0x7e: {  	_ =	shalt  }
0x7f: {  	_ =	shalt  }
0x80: {  	_ =	shalt  }
0x81: {  	_ =	shalt  }
0x82: {  	_ =	shalt  }
0x83: {  	_ =	shalt  }
0x84: {  	_ =	shalt  }
0x85: {  	_ =	shalt  }
0x86: {  	_ =	shalt  }
0x87: {  	_ =	shalt  }
.Lfunc_end0:
.L_simem_size_0:
called_computation_lowered:
.L_overlay_start_0:
0x88: {  	s2 =	sld [smem:$0x3FD9]  }
0x89: {  	s3 =	sld [smem:$0x3FFE];
	_ =	sdelay $0x1  }
0x8a: {  	s1 =	srdreg.scid  }
0x8b: {  	s0 =	sand.u32 $0x1, s1  }
0x8c: {  	s15 =	sshll.u32 s0, $0xA;
	s2 =	sadd.s32 s3, s2  }
0x8d: {  	s2 =	sadd.s32 s2, s15  }
0x8e: {  	[smem:$0x3FC6] =	sst s2  }
0x8f: {  	_ = 	snop  }
0x90: {  	s2 =	sld [smem:$0x3FD0];
	_ =	sdelay $0x2  }
0x91: {  	s4 =	simm.s32 $0xA;
	s5 =	simm.s32 $0x10;
	s16 =	sld [smem:$0x3FC8]  }
0x92: {  	[smem:s5], [sflag:s4] =	dma.local [hbm:s2], $0x1  }
0x93: {  	_ =	swait.eq [sflag:s4], $0x1  }
0x94: {  	[sflag:s4] =	ssyncset.done $0x0  }
0x95: {  	s17 =	sld [smem:$0x10];
	[sflag:s4] =	ssyncadd.s32 $0xFFFFFFFF  }
0x96: {  	s18 =	sld [smem:$0x12];
	(tm) =	ssettm $0x1  }
0x97: {  	s19 =	sld [smem:$0x3FFB];
	_ =	sdelay $0x3  }
0x98: {  	_ =	strace s19  }
0x99: {  	s5 =	sld [smem:$0x3FFC];
	_ =	sdelay $0x3  }
0x9a: {  	_ =	strace s5  }
0x9b: {  	s5 =	sld [smem:$0x3FFD];
	_ =	sdelay $0x3  }
0x9c: {  	_ =	strace s5  }
0x9d: {  	_ =	strace $0x8FFFFFFF  }
0x9e: {  	s20 =	sld [smem:$0x3FDB];
	_ =	sdelay $0x1  }
0x9f: {  	s6 =	simm.s32 $_scs_section_size  }
0xa0: {  	s7 =	simm.s32 $_size__tile_overlayer_lowered;
	s8 =	simm.s32 $_tile_overlayer_lowered  }
0xa1: {  	s23 =	simm.s32 $0x1BFF;
	s22 =	sshll.u32 s8, $0x1;
	s5 =	sadd.s32 s6, s20  }
0xa2: {  	s9 =	simm.s32 $0x0;
	s21 =	sshll.u32 s7, $0x1;
	s7 =	sadd.s32 s22, s5  }
0xa3: {  	[timem:s9], [sflag:s23] =	dma.local [hbm:s7], s21  }
0xa4: {  	_ =	swait.ge [sflag:s23], s21  }
0xa5: {  	s6 =	ssub.s32 $0x0, s21;
	[sflag:s23] =	ssyncset.done $0x0  }
0xa6: {  	[sflag:s23] =	ssyncadd.s32 s6;
	_ =	sdelay $0x1  }
0xa7: {  	s24 =	simm.s32 $0x1B8B  }
0xa8: {  	_ =	swait.ge [sflag:s24], $0x1  }
0xa9: {  	[sflag:s24] =	ssyncset.done $0x0  }
0xaa: {  	s25 =	simm.s32 $0x1B8E;
	[sflag:s24] =	ssyncadd.s32 $0xFFFFFFFF  }
0xab: {  	s26 =	simm.s32 $execute0_lowered;
	[smem:$0x3FD2] =	sst s25  }
0xac: {  	s6 =	sshll.u32 s26, $0x1;
	_ =	strace $0x80000046;
	[dreg:$0x1] =	wrdreg $0xFFFFFFFF  }
0xad: {  	s28 =	simm.s32 $_size_execute0_lowered;
	s5 =	sadd.s32 s5, s6;
	[dreg:$0x0] =	wrdreg $0x0  }
0xae: {  	s6 =	sshll.u32 s28, $0x1;
	[dreg:$0x2] =	wrdreg s5  }
0xaf: {  	[dreg:$0x3] =	wrdreg s6  }
0xb0: {  	[dreg:$0x4] =	wrdreg $0xC0  }
0xb1: {  	_ =	task [dreg:s9], $0x5FFFF  }
0xb2: {  	[dreg:$0x1] =	wrdreg $0xFFFFFFFF  }
0xb3: {  	[dreg:$0x0] =	wrdreg $0x60  }
0xb4: {  	[dreg:$0x2] =	wrdreg s16  }
0xb5: {  	[dreg:$0x3] =	wrdreg s18  }
0xb6: {  	[dreg:$0x4] =	wrdreg s17  }
0xb7: {  	[dreg:$0x5] =	wrdreg $0x9  }
0xb8: {  	_ =	task.clear_ibuf [dreg:s9], $0x6FFFF;
	_ =	strace $0x90000046  }
0xb9: {  	s29 =	simm.s32 $0x9;
	_ =	strace $0x80000048  }
0xba: {  	_ =	swait.ge [sflag:s29], $0x1  }
0xbb: {  	[sflag:s29] =	ssyncadd.s32 $0xFFFFFFFF  }
0xbc: {  	_ =	strace $0x90000048  }
0xbd: {  	_ =	sfence  }
0xbe: {  	s30 =	sld [smem:$0x0];
	_ =	sdelay $0x2  }
0xbf: {  	s31 =	sshll.u32 s1, $0xD;
	s1 =	sshrl.u32 s1, $0x2  }
0xc0: {  	s3 =	sand.u32 $0x4000, s31;
	s1 =	sadd.s32 s1, s30  }
0xc1: {  	s0 =	sor.u32 s3, s0;
	s1 =	sshll.u32 s1, $0x11  }
0xc2: {  	s0 =	sor.u32 s1, s0  }
0xc3: {  	s0 =	sadd.s32 $0x8F2B, s0  }
0xc4: {  	[sflag:s0] =	ssyncadd.remote.s32 $0x1  }
0xc5: {  	_ =	sfence.sel $0xFFFF  }
0xc6: {  	[dreg:$0x0] =	wrdreg $0xFFFFFFFF;
	(pc) =	sbr.abs _section_cstart, $3  }
0xc7: {  	[dreg:$0x1] =	wrdreg $0xFFFFFFFF  }
0xc8: {  	_ =	task.clear_ibuf [dreg:s9], $0x2FFFF;
	_ =	strace $0x9FFFFFFF  }
0xc9: {  	(tm) =	ssettm $0x7FFFFFFF  }
tec
execute0_lowered:
.L_overlay_start_1:
0x0: {  	(tag) =	ssettag $0x1  }
0x1: {  	s1 =	rddreg [dreg:$0x0]  }
0x2: {  	s4 =	rddreg [dreg:$0x1]  }
0x3: {  	s5 =	rddreg [dreg:$0x2]  }
0x4: {  	s0 =	rddreg [dreg:$0x3];
	s3 =	simm.s32 $0x0;
	s6 =	srdreg.scid  }
0x5: {  	s2 =	stileid.u32;
	s10 =	simm.s32 $0x1080;
	s11 =	simm.s32 $0x1880  }
0x6: {  	s12 =	simm.s32 $0x2080;
	s13 =	simm.s32 $0x2880;
	s14 =	simm.s32 $0x3080  }
0x7: {  	s15 =	simm.s32 $0x3880;
	s16 =	simm.s32 $0x4080;
	s17 =	simm.s32 $0x4880  }
0x8: {  	s18 =	simm.s32 $0x5080;
	s19 =	simm.s32 $0x5880;
	s20 =	simm.s32 $0x6080  }
0x9: {  	s21 =	simm.s32 $0x6880;
	s22 =	simm.s32 $0x7080;
	s23 =	simm.s32 $0x7880  }
0xa: {  	s24 =	simm.s32 $0x1;
	[smem:$0x7FF] =	sst s3;
	s6 =	sand.u32 $0x1, s6  }
0xb: {  	s8 =	sshll.u32 s2, $0x8;
	s7 =	ssub.s32 $0x2, s6;
	s6 =	sshll.u32 s6, $0x7  }
0xc: {  	_ =	strace $0x80000047;
	s9 =	sshrl.u32 s7, $0x1;
	s6 =	sor.u32 s6, s8  }
0xd: {  	v2 =	vlaneseq.u32;
	s7 =	ssub.s32 s7, s9;
	s8 =	sshrl.u32 s6, $0x3;
	s6 =	sshll.u32 s6, $0x5  }
0xe: {  	vm0 =	vmmov $0xffff;
	v1 =	vshrl.u32 v2, $0x3;
	s9 =	simm.s32 $0x880;
	s4 =	sadd.s32 s4, s8;
	s5 =	sadd.s32 s5, s6  }
0xf: {  	v0 =	vand.u32 $0x7, v2;
	v2 =	vor.u32 $0x8, v2;
	v1 =	vmul.u32 $0x8, v1;
	s6 =	smax.u32 s7, $0x1;
	s7 =	simm.s32 $0x2;
	s8 =	simm.s32 $0x80  }
.LBB2_1:
0x10: {  	[tilespmem:s3], [sflag:$0x2] =	stream.linear.gather [hbm4b:s4+s3], $0x80, $0x38;
	[tilespmem:$0x8080] =	vst v63  }
0x11: {  	_ =	swait.ge [sflag:s7], $0x80  }
0x12: {  	[sflag:s7] =	ssyncset.done $0x0  }
0x13: {  	[sflag:s7] =	ssyncadd.s32 $0xFFFFFF80  }
0x14: {  	v3 =	vld [tilespmem:$0x0];
	_ =	sdelay $0x4  }
0x15: {  	v4 =	vshll.u32 v3, $0x1  }
0x16: {  	v3 =	vand.u32 $0x7, v3;
	v4 =	vand.u32 $0xFFFFFFF0, v4  }
0x17: {  	v3 =	vor.u32 v3, v4  }
0x18: {  	v4 =	vperm.xlane v3, v0;
	_ =	sdelay $0x1  }
0x19: {  	v3 =	vperm.xlane v3, v2;
	v4 =	vadd.s32 v1, v4;
	_ =	sdelay $0x1  }
0x1a: {  	v3 =	vadd.s32 v1, v3;
	_ =	sdelay $0x2  }
0x1b: {  	[tilespmem:s8], [sflag:$0x1] =	stream.indirect_vreg.gather [hbm4b:s1+s3], $0x80, v4, vm0, $0xb8;
	[tilespmem:$0x8080] =	vst v63  }
0x1c: {  	_ = 	snop  }
0x1d: {  	[tilespmem:s9], [sflag:$0x1] =	stream.indirect_vreg.gather [hbm4b:s1+s3], $0x80, v3, vm0, $0xb8;
	[tilespmem:$0x8080] =	vst v63  }
0x1e: {  	v3 =	vld [tilespmem:$0x10];
	_ =	sdelay $0x4  }
0x1f: {  	v57 =	vshll.u32 v3, $0x1  }
0x20: {  	v3 =	vand.u32 $0x7, v3;
	v4 =	vand.u32 $0xFFFFFFF0, v57  }
0x21: {  	v3 =	vor.u32 v3, v4  }
0x22: {  	v4 =	vperm.xlane v3, v0;
	_ =	sdelay $0x1  }
0x23: {  	v3 =	vperm.xlane v3, v2;
	v4 =	vadd.s32 v1, v4;
	_ =	sdelay $0x1  }
0x24: {  	v3 =	vadd.s32 v1, v3;
	_ =	sdelay $0x2  }
0x25: {  	[tilespmem:s10], [sflag:$0x1] =	stream.indirect_vreg.gather [hbm4b:s1+s3], $0x80, v4, vm0, $0xb8;
	[tilespmem:$0x8080] =	vst v63  }
0x26: {  	_ = 	snop  }
0x27: {  	[tilespmem:s11], [sflag:$0x1] =	stream.indirect_vreg.gather [hbm4b:s1+s3], $0x80, v3, vm0, $0xb8;
	[tilespmem:$0x8080] =	vst v63  }
0x28: {  	v3 =	vld [tilespmem:$0x20];
	_ =	sdelay $0x4  }
0x29: {  	v58 =	vshll.u32 v3, $0x1  }
0x2a: {  	v3 =	vand.u32 $0x7, v3;
	v4 =	vand.u32 $0xFFFFFFF0, v58  }
0x2b: {  	v3 =	vor.u32 v3, v4  }
0x2c: {  	v4 =	vperm.xlane v3, v0;
	_ =	sdelay $0x1  }
0x2d: {  	v3 =	vperm.xlane v3, v2;
	v4 =	vadd.s32 v1, v4;
	_ =	sdelay $0x1  }
0x2e: {  	v3 =	vadd.s32 v1, v3;
	_ =	sdelay $0x2  }
0x2f: {  	[tilespmem:s12], [sflag:$0x1] =	stream.indirect_vreg.gather [hbm4b:s1+s3], $0x80, v4, vm0, $0xb8;
	[tilespmem:$0x8080] =	vst v63  }
0x30: {  	_ = 	snop  }
0x31: {  	[tilespmem:s13], [sflag:$0x1] =	stream.indirect_vreg.gather [hbm4b:s1+s3], $0x80, v3, vm0, $0xb8;
	[tilespmem:$0x8080] =	vst v63  }
0x32: {  	v3 =	vld [tilespmem:$0x30];
	_ =	sdelay $0x4  }
0x33: {  	v59 =	vshll.u32 v3, $0x1  }
0x34: {  	v3 =	vand.u32 $0x7, v3;
	v4 =	vand.u32 $0xFFFFFFF0, v59  }
0x35: {  	v3 =	vor.u32 v3, v4  }
0x36: {  	v4 =	vperm.xlane v3, v0;
	_ =	sdelay $0x1  }
0x37: {  	v3 =	vperm.xlane v3, v2;
	v4 =	vadd.s32 v1, v4;
	_ =	sdelay $0x1  }
0x38: {  	v3 =	vadd.s32 v1, v3;
	_ =	sdelay $0x2  }
0x39: {  	[tilespmem:s14], [sflag:$0x1] =	stream.indirect_vreg.gather [hbm4b:s1+s3], $0x80, v4, vm0, $0xb8;
	[tilespmem:$0x8080] =	vst v63  }
0x3a: {  	_ = 	snop  }
0x3b: {  	[tilespmem:s15], [sflag:$0x1] =	stream.indirect_vreg.gather [hbm4b:s1+s3], $0x80, v3, vm0, $0xb8;
	[tilespmem:$0x8080] =	vst v63  }
0x3c: {  	v3 =	vld [tilespmem:$0x40];
	_ =	sdelay $0x4  }
0x3d: {  	v60 =	vshll.u32 v3, $0x1  }
0x3e: {  	v3 =	vand.u32 $0x7, v3;
	v4 =	vand.u32 $0xFFFFFFF0, v60  }
0x3f: {  	v3 =	vor.u32 v3, v4  }
0x40: {  	v4 =	vperm.xlane v3, v0;
	_ =	sdelay $0x1  }
0x41: {  	v3 =	vperm.xlane v3, v2;
	v4 =	vadd.s32 v1, v4;
	_ =	sdelay $0x1  }
0x42: {  	v3 =	vadd.s32 v1, v3;
	_ =	sdelay $0x2  }
0x43: {  	[tilespmem:s16], [sflag:$0x1] =	stream.indirect_vreg.gather [hbm4b:s1+s3], $0x80, v4, vm0, $0xb8;
	[tilespmem:$0x8080] =	vst v63  }
0x44: {  	_ = 	snop  }
0x45: {  	[tilespmem:s17], [sflag:$0x1] =	stream.indirect_vreg.gather [hbm4b:s1+s3], $0x80, v3, vm0, $0xb8;
	[tilespmem:$0x8080] =	vst v63  }
0x46: {  	v3 =	vld [tilespmem:$0x50];
	_ =	sdelay $0x4  }
0x47: {  	v61 =	vshll.u32 v3, $0x1  }
0x48: {  	v3 =	vand.u32 $0x7, v3;
	v4 =	vand.u32 $0xFFFFFFF0, v61  }
0x49: {  	v3 =	vor.u32 v3, v4  }
0x4a: {  	v4 =	vperm.xlane v3, v0;
	_ =	sdelay $0x1  }
0x4b: {  	v3 =	vperm.xlane v3, v2;
	v4 =	vadd.s32 v1, v4;
	_ =	sdelay $0x1  }
0x4c: {  	v3 =	vadd.s32 v1, v3;
	_ =	sdelay $0x2  }
0x4d: {  	[tilespmem:s18], [sflag:$0x1] =	stream.indirect_vreg.gather [hbm4b:s1+s3], $0x80, v4, vm0, $0xb8;
	[tilespmem:$0x8080] =	vst v63  }
0x4e: {  	_ = 	snop  }
0x4f: {  	[tilespmem:s19], [sflag:$0x1] =	stream.indirect_vreg.gather [hbm4b:s1+s3], $0x80, v3, vm0, $0xb8;
	[tilespmem:$0x8080] =	vst v63  }
0x50: {  	v3 =	vld [tilespmem:$0x60];
	_ =	sdelay $0x4  }
0x51: {  	v62 =	vshll.u32 v3, $0x1  }
0x52: {  	v3 =	vand.u32 $0x7, v3;
	v4 =	vand.u32 $0xFFFFFFF0, v62  }
0x53: {  	v3 =	vor.u32 v3, v4  }
0x54: {  	v4 =	vperm.xlane v3, v0;
	_ =	sdelay $0x1  }
0x55: {  	v3 =	vperm.xlane v3, v2;
	v4 =	vadd.s32 v1, v4;
	_ =	sdelay $0x1  }
0x56: {  	v3 =	vadd.s32 v1, v3;
	_ =	sdelay $0x2  }
0x57: {  	[tilespmem:s20], [sflag:$0x1] =	stream.indirect_vreg.gather [hbm4b:s1+s3], $0x80, v4, vm0, $0xb8;
	[tilespmem:$0x8080] =	vst v63  }
0x58: {  	_ = 	snop  }
0x59: {  	[tilespmem:s21], [sflag:$0x1] =	stream.indirect_vreg.gather [hbm4b:s1+s3], $0x80, v3, vm0, $0xb8;
	[tilespmem:$0x8080] =	vst v63  }
0x5a: {  	v3 =	vld [tilespmem:$0x70];
	_ =	sdelay $0x4  }
0x5b: {  	v63 =	vshll.u32 v3, $0x1  }
0x5c: {  	v3 =	vand.u32 $0x7, v3;
	v4 =	vand.u32 $0xFFFFFFF0, v63  }
0x5d: {  	v3 =	vor.u32 v3, v4  }
0x5e: {  	v4 =	vperm.xlane v3, v0;
	_ =	sdelay $0x1  }
0x5f: {  	v3 =	vperm.xlane v3, v2;
	v4 =	vadd.s32 v1, v4;
	_ =	sdelay $0x1  }
0x60: {  	v3 =	vadd.s32 v1, v3;
	_ =	sdelay $0x2  }
0x61: {  	[tilespmem:s22], [sflag:$0x1] =	stream.indirect_vreg.gather [hbm4b:s1+s3], $0x80, v4, vm0, $0xb8;
	[tilespmem:$0x8080] =	vst v63  }
0x62: {  	_ = 	snop  }
0x63: {  	[tilespmem:s23], [sflag:$0x1] =	stream.indirect_vreg.gather [hbm4b:s1+s3], $0x80, v3, vm0, $0xb8;
	[tilespmem:$0x8080] =	vst v63  }
0x64: {  	_ =	swait.ge [sflag:s24], $0x8000  }
0x65: {  	p0 =	sne.s32 s6, $0x1;
	[sflag:s24] =	ssyncset.done $0x0  }
.Ltmp0:
0x66: {  	[sflag:s24] =	ssyncadd.s32 $0xFFFF8000;
	(pc) =	sbr.rel @p0 .LBB2_1-.Ltmp0, $4  }
0x67: {  	[hbm4b:s5+s3] =	stream.linear.scatter [tilespmem:s8], [sflag:$0x2], $0x8000, $0x38;
	[tilespmem:$0x8080] =	vst v63  }
0x68: {  	_ =	swait.ge [sflag:s7], $0x8000  }
0x69: {  	[sflag:s7] =	ssyncset.done $0x0  }
0x6a: {  	s6 =	sadd.s32 $0xFFFFFFFF, s6;
	[sflag:s7] =	ssyncadd.s32 $0xFFFF8000  }
0x6b: {  	_ =	sfence.sel $0x180000  }
0x6c: {  	[bflag:$0x0] =	sbarrier.arrive $0xFFFF  }
0x6d: {  	p0 =	sne.s32 s2, $0x0;
	_ =	strace $0x90000047  }
0x6e: {  	s0 =	sadd.s32 @!p0 $0x100000, s0;
	[bflag:$0x2] =	sbarrier.arrive $0xFFFF  }
0x6f: {  	[sflag:s0] =	ssyncadd.tile.s32 @!p0 $0x1;
	_ =	shalt  }
.Lfunc_end2:
_tile_overlayer_lowered:
.L_overlay_start_2:
0x70: {  	(tag) =	ssettag $0x2  }
0x71: {  	s0 =	rddreg [dreg:$0x0];
	s2 =	stileid.u32  }
0x72: {  	s1 =	rddreg [dreg:$0x1];
	p0 =	sne.s32 s2, $0x0  }
0x73: {  	s3 =	rddreg [dreg:$0x2];
	[bflag:$0x3] =	sbarrier.arrive $0xFFFF;
	s2 =	simm.s32 @!p0 $0x1C02  }
0x74: {  	[timem:s3], [sflag:s2] =	dma.local @!p0 [hbm:s0], s1  }
0x75: {  	s0 =	simm.s32 @!p0 $0x2  }
0x76: {  	_ =	swait.ge @!p0 [sflag:s0], s1  }
0x77: {  	s1 =	ssub.s32 @!p0 $0x0, s1;
	[sflag:s0] =	ssyncset.done @!p0 $0x0  }
0x78: {  	[sflag:s0] =	ssyncadd.s32 @!p0 s1  }
0x79: {  	[bflag:$0x3] =	sbarrier.arrive $0xFFFF  }
0x7a: {  	_ =	shalt  }

</sc_bundles>
